<compile_context>
chip_gen: v7x
topology: tpu7x:2x2x1
jax: 0.10.2.dev20260603
libtpu: 0.0.44.dev20260713+nightly
codegen_flags: <defaults>
</compile_context>

<pallas_src>
import jax
import jax.numpy as jnp
from jax import lax
from jax.experimental import pallas as pl
from jax.experimental.pallas import tpu as pltpu
from jax.experimental.pallas import tpu_sc as plsc

_PAD = 0
_NC, _NS = 2, 16
_NW = _NC * _NS
_BB = 128
_D = 64
_RING = 6


def _mask_body(sent_ref, mask_ref):
    mask_ref[...] = sent_ref[...] != _PAD


def _gather_body(sent_t_hbm, tab_hbm, out_hbm, idxt_v, rows_v, gsem, ssem):
    wid = lax.axis_index("s") * _NC + lax.axis_index("c")
    n0 = wid * _BB
    ll = sent_t_hbm.shape[0]
    np_ = ll // 2
    pltpu.sync_copy(sent_t_hbm.at[:, pl.ds(n0, _BB)], idxt_v)

    def fire_gather(l):
        pltpu.async_copy(tab_hbm.at[idxt_v.at[l]], rows_v.at[lax.rem(l, _RING)],
                         gsem)

    def wait_gather():
        pltpu.make_async_copy(tab_hbm.at[idxt_v.at[0]], rows_v.at[0],
                              gsem).wait()

    def fire_store(p):
        pltpu.async_copy(rows_v.at[lax.rem(2 * p, _RING)],
                         out_hbm.at[pl.ds(n0, _BB), pl.ds(p * 2 * _D, 2 * _D)],
                         ssem)

    def wait_store():
        pltpu.make_async_copy(rows_v.at[0],
                              out_hbm.at[pl.ds(n0, _BB), pl.ds(0, 2 * _D)],
                              ssem).wait()

    for q in range(4):
        @pl.when(q < ll)
        def _prime():
            fire_gather(jnp.int32(q))

    def step(p, carry):
        e = lax.rem(2 * p, _RING)
        o = lax.rem(2 * p + 1, _RING)
        wait_gather()
        wait_gather()

        @pl.when(p >= 1)
        def _drain():
            wait_store()

        @pl.when(2 * p + 4 < ll)
        def _n0():
            fire_gather(2 * p + 4)

        @pl.when(2 * p + 5 < ll)
        def _n1():
            fire_gather(2 * p + 5)

        def crow(r, carry):
            for c in range(_D // 16):
                rows_v[e, r, pl.ds(_D + c * 16, 16)] = (
                    rows_v[o, r, pl.ds(c * 16, 16)])
            return carry

        lax.fori_loop(0, _BB, crow, 0)
        fire_store(p)
        return carry

    lax.fori_loop(0, np_, step, 0)
    wait_store()


def kernel(sent, table):
    b, l = sent.shape
    v, d = table.shape
    assert b % _NW == 0 and b // _NW == _BB
    sent32 = sent.astype(jnp.int32)
    sent_t = jnp.transpose(sent32)
    tab128 = jnp.pad(table, ((0, 0), (0, 128 - d)))

    mesh = plsc.VectorSubcoreMesh(core_axis_name="c", subcore_axis_name="s",
                                  num_cores=_NC, num_subcores=_NS)

    gather = pl.kernel(
        _gather_body,
        out_type=jax.ShapeDtypeStruct((b, l * d), jnp.float32),
        mesh=mesh,
        scratch_types=[
            pltpu.VMEM((l, _BB), jnp.int32),
            pltpu.VMEM((_RING, _BB, 128), jnp.float32),
            pltpu.SemaphoreType.DMA,
            pltpu.SemaphoreType.DMA,
        ],
    )
    emb = jnp.reshape(gather(sent_t, tab128), (b, l, d))

    mask = pl.pallas_call(
        _mask_body,
        out_shape=jax.ShapeDtypeStruct((b, l), jnp.bool_),
    )(sent32)
    return emb, mask

# --- scband reference (transcript-rebuilt; emitter-appended) ---
"""Pipeline reference for scband-cbowencoder-77068893160046 (READ-ONLY COPY).

The authoritative reference and input builder live on the scoring server;
editing this copy changes nothing except your own understanding.
"""

import jax, jax.numpy as jnp
import numpy as np

VOCAB = 1000000
D_MODEL = 64
PAD_IDX = 0

def setup_inputs(seed: int = 0) -> dict:
    key = jax.random.key(seed)
    k1, k2 = jax.random.split(key)
    sent = jax.random.randint(k1, (4096, 200), 0, VOCAB, dtype=jnp.int64)
    table = jax.random.normal(k2, (VOCAB, D_MODEL), dtype=jnp.float32)
    # padding_idx=0: torch initializes padding row to zeros
    table = table.at[PAD_IDX].set(0.0)
    return {"sent": sent, "table": table}

def reference(sent, table):
    # nn.Embedding lookup with padding_idx=0
    emb = jnp.take(table, sent, axis=0)  # [B, L, D]
    nopad_mask = sent != PAD_IDX          # [B, L] bool
    return (emb, nopad_mask)

if __name__ == "__main__":
    import jax
    _d = setup_inputs()
    print(jax.jit(kernel)(*tuple(_d.values())))

</pallas_src>

<mosaic_0001>
#map = affine_map<(d0, d1) -> (0, 0)>
module attributes {stable_mosaic.version = 14 : i64} {
  func.func @_gather_body(%arg0: i32, %arg1: i32, %arg2: memref<200x4096xi32, #tpu.memory_space<hbm>>, %arg3: memref<1000000x128xf32, #tpu.memory_space<hbm>>, %arg4: memref<4096x12800xf32, #tpu.memory_space<hbm>>, %arg5: memref<200x128xi32, #tpu.memory_space<vmem>>, %arg6: memref<6x128x128xf32, #tpu.memory_space<vmem>>, %arg7: memref<!tpu.dma_semaphore, #tpu.memory_space<semaphore_mem>>, %arg8: memref<!tpu.dma_semaphore, #tpu.memory_space<semaphore_mem>>) attributes {dimension_semantics = [#tpu.dimension_semantics<core_parallel>, #tpu.dimension_semantics<subcore_parallel>], iteration_bounds = array<i64: 2, 16>, scalar_prefetch = 0 : i64, scratch_operands = 4 : i64, tpu.core_type = #tpu.core_type<sc_vector_subcore>, window_params = [{transform_indices = #map}, {transform_indices = #map}, {transform_indices = #map}]} {
    %mul3A = arith.constant 2 : i32
    %mul3A_0 = arith.muli %arg1, %mul3A : i32
    %add3A = arith.addi %mul3A_0, %arg0 : i32
    %mul3A_1 = arith.constant 128 : i32
    %mul3A_2 = arith.muli %add3A, %mul3A_1 : i32
    "tpu.region"() ({
      %run_scoped3A = tpu.sem_alloc : memref<!tpu.dma_semaphore, #tpu.memory_space<semaphore_mem>>
      %dma_start3A_74 = arith.constant 0 : i32
      %dma_start3A_75 = tpu.memref_slice %arg2[%dma_start3A_74, %mul3A_2] : memref<200x4096xi32, #tpu.memory_space<hbm>> -> memref<200x128xi32, #tpu.memory_space<hbm>>
      %dma_start3A_76 = arith.constant 0 : i32
      %dma_start3A_77 = tpu.memref_slice %arg2[%dma_start3A_76, %mul3A_2] : memref<200x4096xi32, #tpu.memory_space<hbm>> -> memref<200x128xi32, #tpu.memory_space<hbm>>
      tpu.enqueue_dma source(%dma_start3A_77 : memref<200x128xi32, #tpu.memory_space<hbm>>) target(%arg5 : memref<200x128xi32, #tpu.memory_space<vmem>>) target_semaphore(%run_scoped3A : memref<!tpu.dma_semaphore, #tpu.memory_space<semaphore_mem>>)
      %dma_wait3A_78 = arith.constant 0 : i32
      %dma_wait3A_79 = tpu.memref_slice %arg2[%dma_wait3A_78, %mul3A_2] : memref<200x4096xi32, #tpu.memory_space<hbm>> -> memref<200x128xi32, #tpu.memory_space<hbm>>
      %dma_wait3A_80 = arith.constant 0 : i32
      %dma_wait3A_81 = tpu.memref_slice %arg2[%dma_wait3A_80, %mul3A_2] : memref<200x4096xi32, #tpu.memory_space<hbm>> -> memref<200x128xi32, #tpu.memory_space<hbm>>
      tpu.wait_dma2 semaphore(%run_scoped3A : memref<!tpu.dma_semaphore, #tpu.memory_space<semaphore_mem>>) src(%dma_wait3A_81 : memref<200x128xi32, #tpu.memory_space<hbm>>) dst(%arg5 : memref<200x128xi32, #tpu.memory_space<vmem>>)
      tpu.yield
    }) : () -> ()
    %rem3A = arith.constant 0 : i32
    %rem3A_3 = arith.constant 6 : i32
    %rem3A_4 = arith.remsi %rem3A, %rem3A_3 : i32
    %dma_start3A = arith.constant 0 : i32
    %dma_start3A_5 = arith.constant 0 : i32
    %dma_start3A_6 = arith.constant 0 : i32
    %dma_start3A_7 = tpu.memref_slice %arg6[%rem3A_4, %dma_start3A_5, %dma_start3A_6] : memref<6x128x128xf32, #tpu.memory_space<vmem>> -> memref<1x128x128xf32, #tpu.memory_space<vmem>>
    %dma_start3A_8 = tpu.memref_squeeze %dma_start3A_7 : memref<1x128x128xf32, #tpu.memory_space<vmem>> -> memref<128x128xf32, #tpu.memory_space<vmem>>
    %dma_start3A_9 = arith.constant 0 : i32
    %dma_start3A_10 = tpu.memref_slice %arg5[%dma_start3A, %dma_start3A_9] : memref<200x128xi32, #tpu.memory_space<vmem>> -> memref<1x128xi32, #tpu.memory_space<vmem>>
    %dma_start3A_11 = tpu.memref_squeeze %dma_start3A_10 : memref<1x128xi32, #tpu.memory_space<vmem>> -> memref<128xi32, #tpu.memory_space<vmem>>
    %dma_start3A_12 = arith.constant 0 : i32
    %dma_start3A_13 = arith.constant 0 : i32
    %dma_start3A_14 = tpu.memref_slice %arg3[%dma_start3A_12, %dma_start3A_13] : memref<1000000x128xf32, #tpu.memory_space<hbm>> -> memref<1000000x128xf32, #tpu.memory_space<hbm>>
    tpu.enqueue_indirect_dma source(%dma_start3A_14 : memref<1000000x128xf32, #tpu.memory_space<hbm>>) target(%dma_start3A_8 : memref<128x128xf32, #tpu.memory_space<vmem>>) offsets(%dma_start3A_11 : memref<128xi32, #tpu.memory_space<vmem>>) semaphore(%arg7 : memref<!tpu.dma_semaphore, #tpu.memory_space<semaphore_mem>>)
    %rem3A_15 = arith.constant 1 : i32
    %rem3A_16 = arith.constant 6 : i32
    %rem3A_17 = arith.remsi %rem3A_15, %rem3A_16 : i32
    %dma_start3A_18 = arith.constant 1 : i32
    %dma_start3A_19 = arith.constant 0 : i32
    %dma_start3A_20 = arith.constant 0 : i32
    %dma_start3A_21 = tpu.memref_slice %arg6[%rem3A_17, %dma_start3A_19, %dma_start3A_20] : memref<6x128x128xf32, #tpu.memory_space<vmem>> -> memref<1x128x128xf32, #tpu.memory_space<vmem>>
    %dma_start3A_22 = tpu.memref_squeeze %dma_start3A_21 : memref<1x128x128xf32, #tpu.memory_space<vmem>> -> memref<128x128xf32, #tpu.memory_space<vmem>>
    %dma_start3A_23 = arith.constant 0 : i32
    %dma_start3A_24 = tpu.memref_slice %arg5[%dma_start3A_18, %dma_start3A_23] : memref<200x128xi32, #tpu.memory_space<vmem>> -> memref<1x128xi32, #tpu.memory_space<vmem>>
    %dma_start3A_25 = tpu.memref_squeeze %dma_start3A_24 : memref<1x128xi32, #tpu.memory_space<vmem>> -> memref<128xi32, #tpu.memory_space<vmem>>
    %dma_start3A_26 = arith.constant 0 : i32
    %dma_start3A_27 = arith.constant 0 : i32
    %dma_start3A_28 = tpu.memref_slice %arg3[%dma_start3A_26, %dma_start3A_27] : memref<1000000x128xf32, #tpu.memory_space<hbm>> -> memref<1000000x128xf32, #tpu.memory_space<hbm>>
    tpu.enqueue_indirect_dma source(%dma_start3A_28 : memref<1000000x128xf32, #tpu.memory_space<hbm>>) target(%dma_start3A_22 : memref<128x128xf32, #tpu.memory_space<vmem>>) offsets(%dma_start3A_25 : memref<128xi32, #tpu.memory_space<vmem>>) semaphore(%arg7 : memref<!tpu.dma_semaphore, #tpu.memory_space<semaphore_mem>>)
    %rem3A_29 = arith.constant 2 : i32
    %rem3A_30 = arith.constant 6 : i32
    %rem3A_31 = arith.remsi %rem3A_29, %rem3A_30 : i32
    %dma_start3A_32 = arith.constant 2 : i32
    %dma_start3A_33 = arith.constant 0 : i32
    %dma_start3A_34 = arith.constant 0 : i32
    %dma_start3A_35 = tpu.memref_slice %arg6[%rem3A_31, %dma_start3A_33, %dma_start3A_34] : memref<6x128x128xf32, #tpu.memory_space<vmem>> -> memref<1x128x128xf32, #tpu.memory_space<vmem>>
    %dma_start3A_36 = tpu.memref_squeeze %dma_start3A_35 : memref<1x128x128xf32, #tpu.memory_space<vmem>> -> memref<128x128xf32, #tpu.memory_space<vmem>>
    %dma_start3A_37 = arith.constant 0 : i32
    %dma_start3A_38 = tpu.memref_slice %arg5[%dma_start3A_32, %dma_start3A_37] : memref<200x128xi32, #tpu.memory_space<vmem>> -> memref<1x128xi32, #tpu.memory_space<vmem>>
    %dma_start3A_39 = tpu.memref_squeeze %dma_start3A_38 : memref<1x128xi32, #tpu.memory_space<vmem>> -> memref<128xi32, #tpu.memory_space<vmem>>
    %dma_start3A_40 = arith.constant 0 : i32
    %dma_start3A_41 = arith.constant 0 : i32
    %dma_start3A_42 = tpu.memref_slice %arg3[%dma_start3A_40, %dma_start3A_41] : memref<1000000x128xf32, #tpu.memory_space<hbm>> -> memref<1000000x128xf32, #tpu.memory_space<hbm>>
    tpu.enqueue_indirect_dma source(%dma_start3A_42 : memref<1000000x128xf32, #tpu.memory_space<hbm>>) target(%dma_start3A_36 : memref<128x128xf32, #tpu.memory_space<vmem>>) offsets(%dma_start3A_39 : memref<128xi32, #tpu.memory_space<vmem>>) semaphore(%arg7 : memref<!tpu.dma_semaphore, #tpu.memory_space<semaphore_mem>>)
    %rem3A_43 = arith.constant 3 : i32
    %rem3A_44 = arith.constant 6 : i32
    %rem3A_45 = arith.remsi %rem3A_43, %rem3A_44 : i32
    %dma_start3A_46 = arith.constant 3 : i32
    %dma_start3A_47 = arith.constant 0 : i32
    %dma_start3A_48 = arith.constant 0 : i32
    %dma_start3A_49 = tpu.memref_slice %arg6[%rem3A_45, %dma_start3A_47, %dma_start3A_48] : memref<6x128x128xf32, #tpu.memory_space<vmem>> -> memref<1x128x128xf32, #tpu.memory_space<vmem>>
    %dma_start3A_50 = tpu.memref_squeeze %dma_start3A_49 : memref<1x128x128xf32, #tpu.memory_space<vmem>> -> memref<128x128xf32, #tpu.memory_space<vmem>>
    %dma_start3A_51 = arith.constant 0 : i32
    %dma_start3A_52 = tpu.memref_slice %arg5[%dma_start3A_46, %dma_start3A_51] : memref<200x128xi32, #tpu.memory_space<vmem>> -> memref<1x128xi32, #tpu.memory_space<vmem>>
    %dma_start3A_53 = tpu.memref_squeeze %dma_start3A_52 : memref<1x128xi32, #tpu.memory_space<vmem>> -> memref<128xi32, #tpu.memory_space<vmem>>
    %dma_start3A_54 = arith.constant 0 : i32
    %dma_start3A_55 = arith.constant 0 : i32
    %dma_start3A_56 = tpu.memref_slice %arg3[%dma_start3A_54, %dma_start3A_55] : memref<1000000x128xf32, #tpu.memory_space<hbm>> -> memref<1000000x128xf32, #tpu.memory_space<hbm>>
    tpu.enqueue_indirect_dma source(%dma_start3A_56 : memref<1000000x128xf32, #tpu.memory_space<hbm>>) target(%dma_start3A_50 : memref<128x128xf32, #tpu.memory_space<vmem>>) offsets(%dma_start3A_53 : memref<128xi32, #tpu.memory_space<vmem>>) semaphore(%arg7 : memref<!tpu.dma_semaphore, #tpu.memory_space<semaphore_mem>>)
    %scan3A = arith.constant 0 : i32
    %scan3A_57 = arith.constant 0 : i32
    %scan3A_58 = arith.constant 100 : i32
    %scan3A_59 = arith.addi %scan3A_57, %scan3A_58 : i32
    %scan3A_60 = arith.constant 1 : i32
    scf.for %scan3A_74 = %scan3A_57 to %scan3A_59 step %scan3A_60  : i32 {
      %mul3A_75 = arith.constant 2 : i32
      %mul3A_76 = arith.muli %mul3A_75, %scan3A_74 : i32
      %rem3A_77 = arith.constant 6 : i32
      %rem3A_78 = arith.remsi %mul3A_76, %rem3A_77 : i32
      %mul3A_79 = arith.constant 2 : i32
      %mul3A_80 = arith.muli %mul3A_79, %scan3A_74 : i32
      %add3A_81 = arith.constant 1 : i32
      %add3A_82 = arith.addi %mul3A_80, %add3A_81 : i32
      %rem3A_83 = arith.constant 6 : i32
      %rem3A_84 = arith.remsi %add3A_82, %rem3A_83 : i32
      %dma_wait3A_85 = arith.constant 0 : i32
      %dma_wait3A_86 = arith.constant 0 : i32
      %dma_wait3A_87 = arith.constant 0 : i32
      %dma_wait3A_88 = arith.constant 0 : i32
      %dma_wait3A_89 = tpu.memref_slice %arg6[%dma_wait3A_86, %dma_wait3A_87, %dma_wait3A_88] : memref<6x128x128xf32, #tpu.memory_space<vmem>> -> memref<1x128x128xf32, #tpu.memory_space<vmem>>
      %dma_wait3A_90 = tpu.memref_squeeze %dma_wait3A_89 : memref<1x128x128xf32, #tpu.memory_space<vmem>> -> memref<128x128xf32, #tpu.memory_space<vmem>>
      %dma_wait3A_91 = arith.constant 0 : i32
      %dma_wait3A_92 = tpu.memref_slice %arg5[%dma_wait3A_85, %dma_wait3A_91] : memref<200x128xi32, #tpu.memory_space<vmem>> -> memref<1x128xi32, #tpu.memory_space<vmem>>
      %dma_wait3A_93 = tpu.memref_squeeze %dma_wait3A_92 : memref<1x128xi32, #tpu.memory_space<vmem>> -> memref<128xi32, #tpu.memory_space<vmem>>
      %dma_wait3A_94 = arith.constant 0 : i32
      %dma_wait3A_95 = arith.constant 0 : i32
      %dma_wait3A_96 = tpu.memref_slice %arg3[%dma_wait3A_94, %dma_wait3A_95] : memref<1000000x128xf32, #tpu.memory_space<hbm>> -> memref<1000000x128xf32, #tpu.memory_space<hbm>>
      tpu.wait_indirect_dma semaphore(%arg7 : memref<!tpu.dma_semaphore, #tpu.memory_space<semaphore_mem>>) src(%dma_wait3A_96 : memref<1000000x128xf32, #tpu.memory_space<hbm>>) dst(%dma_wait3A_90 : memref<128x128xf32, #tpu.memory_space<vmem>>)
      %dma_wait3A_97 = arith.constant 0 : i32
      %dma_wait3A_98 = arith.constant 0 : i32
      %dma_wait3A_99 = arith.constant 0 : i32
      %dma_wait3A_100 = arith.constant 0 : i32
      %dma_wait3A_101 = tpu.memref_slice %arg6[%dma_wait3A_98, %dma_wait3A_99, %dma_wait3A_100] : memref<6x128x128xf32, #tpu.memory_space<vmem>> -> memref<1x128x128xf32, #tpu.memory_space<vmem>>
      %dma_wait3A_102 = tpu.memref_squeeze %dma_wait3A_101 : memref<1x128x128xf32, #tpu.memory_space<vmem>> -> memref<128x128xf32, #tpu.memory_space<vmem>>
      %dma_wait3A_103 = arith.constant 0 : i32
      %dma_wait3A_104 = tpu.memref_slice %arg5[%dma_wait3A_97, %dma_wait3A_103] : memref<200x128xi32, #tpu.memory_space<vmem>> -> memref<1x128xi32, #tpu.memory_space<vmem>>
      %dma_wait3A_105 = tpu.memref_squeeze %dma_wait3A_104 : memref<1x128xi32, #tpu.memory_space<vmem>> -> memref<128xi32, #tpu.memory_space<vmem>>
      %dma_wait3A_106 = arith.constant 0 : i32
      %dma_wait3A_107 = arith.constant 0 : i32
      %dma_wait3A_108 = tpu.memref_slice %arg3[%dma_wait3A_106, %dma_wait3A_107] : memref<1000000x128xf32, #tpu.memory_space<hbm>> -> memref<1000000x128xf32, #tpu.memory_space<hbm>>
      tpu.wait_indirect_dma semaphore(%arg7 : memref<!tpu.dma_semaphore, #tpu.memory_space<semaphore_mem>>) src(%dma_wait3A_108 : memref<1000000x128xf32, #tpu.memory_space<hbm>>) dst(%dma_wait3A_102 : memref<128x128xf32, #tpu.memory_space<vmem>>)
      %ge3A = arith.constant 1 : i32
      %ge3A_109 = arith.cmpi sge, %scan3A_74, %ge3A : i32
      %convert_element_type3A = arith.extui %ge3A_109 : i1 to i32
      %cond3A = arith.constant 0 : i32
      %cond3A_110 = arith.cmpi ne, %convert_element_type3A, %cond3A : i32
      scf.if %cond3A_110 {
        %dma_wait3A_152 = arith.constant 0 : i32
        %dma_wait3A_153 = arith.constant 0 : i32
        %dma_wait3A_154 = arith.constant 0 : i32
        %dma_wait3A_155 = tpu.memref_slice %arg6[%dma_wait3A_152, %dma_wait3A_153, %dma_wait3A_154] : memref<6x128x128xf32, #tpu.memory_space<vmem>> -> memref<1x128x128xf32, #tpu.memory_space<vmem>>
        %dma_wait3A_156 = tpu.memref_squeeze %dma_wait3A_155 : memref<1x128x128xf32, #tpu.memory_space<vmem>> -> memref<128x128xf32, #tpu.memory_space<vmem>>
        %dma_wait3A_157 = arith.constant 0 : i32
        %dma_wait3A_158 = tpu.memref_slice %arg4[%mul3A_2, %dma_wait3A_157] : memref<4096x12800xf32, #tpu.memory_space<hbm>> -> memref<128x128xf32, #tpu.memory_space<hbm>>
        %dma_wait3A_159 = arith.constant 0 : i32
        %dma_wait3A_160 = tpu.memref_slice %arg4[%mul3A_2, %dma_wait3A_159] : memref<4096x12800xf32, #tpu.memory_space<hbm>> -> memref<128x128xf32, #tpu.memory_space<hbm>>
        %dma_wait3A_161 = arith.constant 0 : i32
        %dma_wait3A_162 = arith.constant 0 : i32
        %dma_wait3A_163 = tpu.memref_slice %arg6[%dma_wait3A_152, %dma_wait3A_161, %dma_wait3A_162] : memref<6x128x128xf32, #tpu.memory_space<vmem>> -> memref<1x128x128xf32, #tpu.memory_space<vmem>>
        %dma_wait3A_164 = tpu.memref_squeeze %dma_wait3A_163 : memref<1x128x128xf32, #tpu.memory_space<vmem>> -> memref<128x128xf32, #tpu.memory_space<vmem>>
        tpu.wait_dma2 semaphore(%arg8 : memref<!tpu.dma_semaphore, #tpu.memory_space<semaphore_mem>>) src(%dma_wait3A_164 : memref<128x128xf32, #tpu.memory_space<vmem>>) dst(%dma_wait3A_160 : memref<128x128xf32, #tpu.memory_space<hbm>>)
      } else {
      }
      %mul3A_111 = arith.constant 2 : i32
      %mul3A_112 = arith.muli %mul3A_111, %scan3A_74 : i32
      %add3A_113 = arith.constant 4 : i32
      %add3A_114 = arith.addi %mul3A_112, %add3A_113 : i32
      %lt3A = arith.constant 200 : i32
      %lt3A_115 = arith.cmpi slt, %add3A_114, %lt3A : i32
      %convert_element_type3A_116 = arith.extui %lt3A_115 : i1 to i32
      %cond3A_117 = arith.constant 0 : i32
      %cond3A_118 = arith.cmpi ne, %convert_element_type3A_116, %cond3A_117 : i32
      scf.if %cond3A_118 {
        %mul3A_152 = arith.constant 2 : i32
        %mul3A_153 = arith.muli %mul3A_152, %scan3A_74 : i32
        %add3A_154 = arith.constant 4 : i32
        %add3A_155 = arith.addi %mul3A_153, %add3A_154 : i32
        %rem3A_156 = arith.constant 6 : i32
        %rem3A_157 = arith.remsi %add3A_155, %rem3A_156 : i32
        %dma_start3A_158 = arith.constant 0 : i32
        %dma_start3A_159 = arith.constant 0 : i32
        %dma_start3A_160 = tpu.memref_slice %arg6[%rem3A_157, %dma_start3A_158, %dma_start3A_159] : memref<6x128x128xf32, #tpu.memory_space<vmem>> -> memref<1x128x128xf32, #tpu.memory_space<vmem>>
        %dma_start3A_161 = tpu.memref_squeeze %dma_start3A_160 : memref<1x128x128xf32, #tpu.memory_space<vmem>> -> memref<128x128xf32, #tpu.memory_space<vmem>>
        %dma_start3A_162 = arith.constant 0 : i32
        %dma_start3A_163 = tpu.memref_slice %arg5[%add3A_155, %dma_start3A_162] : memref<200x128xi32, #tpu.memory_space<vmem>> -> memref<1x128xi32, #tpu.memory_space<vmem>>
        %dma_start3A_164 = tpu.memref_squeeze %dma_start3A_163 : memref<1x128xi32, #tpu.memory_space<vmem>> -> memref<128xi32, #tpu.memory_space<vmem>>
        %dma_start3A_165 = arith.constant 0 : i32
        %dma_start3A_166 = arith.constant 0 : i32
        %dma_start3A_167 = tpu.memref_slice %arg3[%dma_start3A_165, %dma_start3A_166] : memref<1000000x128xf32, #tpu.memory_space<hbm>> -> memref<1000000x128xf32, #tpu.memory_space<hbm>>
        tpu.enqueue_indirect_dma source(%dma_start3A_167 : memref<1000000x128xf32, #tpu.memory_space<hbm>>) target(%dma_start3A_161 : memref<128x128xf32, #tpu.memory_space<vmem>>) offsets(%dma_start3A_164 : memref<128xi32, #tpu.memory_space<vmem>>) semaphore(%arg7 : memref<!tpu.dma_semaphore, #tpu.memory_space<semaphore_mem>>)
      } else {
      }
      %mul3A_119 = arith.constant 2 : i32
      %mul3A_120 = arith.muli %mul3A_119, %scan3A_74 : i32
      %add3A_121 = arith.constant 5 : i32
      %add3A_122 = arith.addi %mul3A_120, %add3A_121 : i32
      %lt3A_123 = arith.constant 200 : i32
      %lt3A_124 = arith.cmpi slt, %add3A_122, %lt3A_123 : i32
      %convert_element_type3A_125 = arith.extui %lt3A_124 : i1 to i32
      %cond3A_126 = arith.constant 0 : i32
      %cond3A_127 = arith.cmpi ne, %convert_element_type3A_125, %cond3A_126 : i32
      scf.if %cond3A_127 {
        %mul3A_152 = arith.constant 2 : i32
        %mul3A_153 = arith.muli %mul3A_152, %scan3A_74 : i32
        %add3A_154 = arith.constant 5 : i32
        %add3A_155 = arith.addi %mul3A_153, %add3A_154 : i32
        %rem3A_156 = arith.constant 6 : i32
        %rem3A_157 = arith.remsi %add3A_155, %rem3A_156 : i32
        %dma_start3A_158 = arith.constant 0 : i32
        %dma_start3A_159 = arith.constant 0 : i32
        %dma_start3A_160 = tpu.memref_slice %arg6[%rem3A_157, %dma_start3A_158, %dma_start3A_159] : memref<6x128x128xf32, #tpu.memory_space<vmem>> -> memref<1x128x128xf32, #tpu.memory_space<vmem>>
        %dma_start3A_161 = tpu.memref_squeeze %dma_start3A_160 : memref<1x128x128xf32, #tpu.memory_space<vmem>> -> memref<128x128xf32, #tpu.memory_space<vmem>>
        %dma_start3A_162 = arith.constant 0 : i32
        %dma_start3A_163 = tpu.memref_slice %arg5[%add3A_155, %dma_start3A_162] : memref<200x128xi32, #tpu.memory_space<vmem>> -> memref<1x128xi32, #tpu.memory_space<vmem>>
        %dma_start3A_164 = tpu.memref_squeeze %dma_start3A_163 : memref<1x128xi32, #tpu.memory_space<vmem>> -> memref<128xi32, #tpu.memory_space<vmem>>
        %dma_start3A_165 = arith.constant 0 : i32
        %dma_start3A_166 = arith.constant 0 : i32
        %dma_start3A_167 = tpu.memref_slice %arg3[%dma_start3A_165, %dma_start3A_166] : memref<1000000x128xf32, #tpu.memory_space<hbm>> -> memref<1000000x128xf32, #tpu.memory_space<hbm>>
        tpu.enqueue_indirect_dma source(%dma_start3A_167 : memref<1000000x128xf32, #tpu.memory_space<hbm>>) target(%dma_start3A_161 : memref<128x128xf32, #tpu.memory_space<vmem>>) offsets(%dma_start3A_164 : memref<128xi32, #tpu.memory_space<vmem>>) semaphore(%arg7 : memref<!tpu.dma_semaphore, #tpu.memory_space<semaphore_mem>>)
      } else {
      }
      %scan3A_128 = arith.constant 0 : i32
      %scan3A_129 = arith.constant 0 : i32
      %scan3A_130 = arith.constant 128 : i32
      %scan3A_131 = arith.addi %scan3A_129, %scan3A_130 : i32
      %scan3A_132 = arith.constant 1 : i32
      scf.for %scan3A_152 = %scan3A_129 to %scan3A_131 step %scan3A_132  : i32 {
        %get3A = arith.index_cast %rem3A_84 : i32 to index
        %get3A_153 = arith.index_cast %scan3A_152 : i32 to index
        %get3A_154 = arith.constant 0 : index
        %get3A_155 = tpu.vector_load %arg6[%get3A, %get3A_153, %get3A_154] {strides = array<i32>} : memref<6x128x128xf32, #tpu.memory_space<vmem>>, vector<1x1x16xf32>,
        %get3A_156 = vector.shape_cast %get3A_155 : vector<1x1x16xf32> to vector<16xf32>
        %swap3A = arith.index_cast %rem3A_78 : i32 to index
        %swap3A_157 = arith.index_cast %scan3A_152 : i32 to index
        %swap3A_158 = arith.constant 64 : index
        %swap3A_159 = tpu.vector_load %arg6[%swap3A, %swap3A_157, %swap3A_158] {strides = array<i32>} : memref<6x128x128xf32, #tpu.memory_space<vmem>>, vector<1x1x16xf32>,
        %swap3A_160 = vector.shape_cast %swap3A_159 : vector<1x1x16xf32> to vector<16xf32>
        %swap3A_161 = vector.shape_cast %get3A_156 : vector<16xf32> to vector<1x1x16xf32>
        tpu.vector_store %arg6[%swap3A, %swap3A_157, %swap3A_158], %swap3A_161 {strides = array<i32>} : memref<6x128x128xf32, #tpu.memory_space<vmem>>, vector<1x1x16xf32>,
        %get3A_162 = arith.index_cast %rem3A_84 : i32 to index
        %get3A_163 = arith.index_cast %scan3A_152 : i32 to index
        %get3A_164 = arith.constant 16 : index
        %get3A_165 = tpu.vector_load %arg6[%get3A_162, %get3A_163, %get3A_164] {strides = array<i32>} : memref<6x128x128xf32, #tpu.memory_space<vmem>>, vector<1x1x16xf32>,
        %get3A_166 = vector.shape_cast %get3A_165 : vector<1x1x16xf32> to vector<16xf32>
        %swap3A_167 = arith.index_cast %rem3A_78 : i32 to index
        %swap3A_168 = arith.index_cast %scan3A_152 : i32 to index
        %swap3A_169 = arith.constant 80 : index
        %swap3A_170 = tpu.vector_load %arg6[%swap3A_167, %swap3A_168, %swap3A_169] {strides = array<i32>} : memref<6x128x128xf32, #tpu.memory_space<vmem>>, vector<1x1x16xf32>,
        %swap3A_171 = vector.shape_cast %swap3A_170 : vector<1x1x16xf32> to vector<16xf32>
        %swap3A_172 = vector.shape_cast %get3A_166 : vector<16xf32> to vector<1x1x16xf32>
        tpu.vector_store %arg6[%swap3A_167, %swap3A_168, %swap3A_169], %swap3A_172 {strides = array<i32>} : memref<6x128x128xf32, #tpu.memory_space<vmem>>, vector<1x1x16xf32>,
        %get3A_173 = arith.index_cast %rem3A_84 : i32 to index
        %get3A_174 = arith.index_cast %scan3A_152 : i32 to index
        %get3A_175 = arith.constant 32 : index
        %get3A_176 = tpu.vector_load %arg6[%get3A_173, %get3A_174, %get3A_175] {strides = array<i32>} : memref<6x128x128xf32, #tpu.memory_space<vmem>>, vector<1x1x16xf32>,
        %get3A_177 = vector.shape_cast %get3A_176 : vector<1x1x16xf32> to vector<16xf32>
        %swap3A_178 = arith.index_cast %rem3A_78 : i32 to index
        %swap3A_179 = arith.index_cast %scan3A_152 : i32 to index
        %swap3A_180 = arith.constant 96 : index
        %swap3A_181 = tpu.vector_load %arg6[%swap3A_178, %swap3A_179, %swap3A_180] {strides = array<i32>} : memref<6x128x128xf32, #tpu.memory_space<vmem>>, vector<1x1x16xf32>,
        %swap3A_182 = vector.shape_cast %swap3A_181 : vector<1x1x16xf32> to vector<16xf32>
        %swap3A_183 = vector.shape_cast %get3A_177 : vector<16xf32> to vector<1x1x16xf32>
        tpu.vector_store %arg6[%swap3A_178, %swap3A_179, %swap3A_180], %swap3A_183 {strides = array<i32>} : memref<6x128x128xf32, #tpu.memory_space<vmem>>, vector<1x1x16xf32>,
        %get3A_184 = arith.index_cast %rem3A_84 : i32 to index
        %get3A_185 = arith.index_cast %scan3A_152 : i32 to index
        %get3A_186 = arith.constant 48 : index
        %get3A_187 = tpu.vector_load %arg6[%get3A_184, %get3A_185, %get3A_186] {strides = array<i32>} : memref<6x128x128xf32, #tpu.memory_space<vmem>>, vector<1x1x16xf32>,
        %get3A_188 = vector.shape_cast %get3A_187 : vector<1x1x16xf32> to vector<16xf32>
        %swap3A_189 = arith.index_cast %rem3A_78 : i32 to index
        %swap3A_190 = arith.index_cast %scan3A_152 : i32 to index
        %swap3A_191 = arith.constant 112 : index
        %swap3A_192 = tpu.vector_load %arg6[%swap3A_189, %swap3A_190, %swap3A_191] {strides = array<i32>} : memref<6x128x128xf32, #tpu.memory_space<vmem>>, vector<1x1x16xf32>,
        %swap3A_193 = vector.shape_cast %swap3A_192 : vector<1x1x16xf32> to vector<16xf32>
        %swap3A_194 = vector.shape_cast %get3A_188 : vector<16xf32> to vector<1x1x16xf32>
        tpu.vector_store %arg6[%swap3A_189, %swap3A_190, %swap3A_191], %swap3A_194 {strides = array<i32>} : memref<6x128x128xf32, #tpu.memory_space<vmem>>, vector<1x1x16xf32>,
      }
      %scan3A_133 = arith.constant 128 : i32
      %mul3A_134 = arith.constant 2 : i32
      %mul3A_135 = arith.muli %mul3A_134, %scan3A_74 : i32
      %rem3A_136 = arith.constant 6 : i32
      %rem3A_137 = arith.remsi %mul3A_135, %rem3A_136 : i32
      %mul3A_138 = arith.constant 2 : i32
      %mul3A_139 = arith.muli %scan3A_74, %mul3A_138 : i32
      %mul3A_140 = arith.constant 64 : i32
      %mul3A_141 = arith.muli %mul3A_139, %mul3A_140 : i32
      %dma_start3A_142 = arith.constant 0 : i32
      %dma_start3A_143 = arith.constant 0 : i32
      %dma_start3A_144 = tpu.memref_slice %arg6[%rem3A_137, %dma_start3A_142, %dma_start3A_143] : memref<6x128x128xf32, #tpu.memory_space<vmem>> -> memref<1x128x128xf32, #tpu.memory_space<vmem>>
      %dma_start3A_145 = tpu.memref_squeeze %dma_start3A_144 : memref<1x128x128xf32, #tpu.memory_space<vmem>> -> memref<128x128xf32, #tpu.memory_space<vmem>>
      %dma_start3A_146 = tpu.memref_slice %arg4[%mul3A_2, %mul3A_141] : memref<4096x12800xf32, #tpu.memory_space<hbm>> -> memref<128x128xf32, #tpu.memory_space<hbm>>
      %dma_start3A_147 = tpu.memref_slice %arg4[%mul3A_2, %mul3A_141] : memref<4096x12800xf32, #tpu.memory_space<hbm>> -> memref<128x128xf32, #tpu.memory_space<hbm>>
      %dma_start3A_148 = arith.constant 0 : i32
      %dma_start3A_149 = arith.constant 0 : i32
      %dma_start3A_150 = tpu.memref_slice %arg6[%rem3A_137, %dma_start3A_148, %dma_start3A_149] : memref<6x128x128xf32, #tpu.memory_space<vmem>> -> memref<1x128x128xf32, #tpu.memory_space<vmem>>
      %dma_start3A_151 = tpu.memref_squeeze %dma_start3A_150 : memref<1x128x128xf32, #tpu.memory_space<vmem>> -> memref<128x128xf32, #tpu.memory_space<vmem>>
      tpu.enqueue_dma source(%dma_start3A_151 : memref<128x128xf32, #tpu.memory_space<vmem>>) target(%dma_start3A_147 : memref<128x128xf32, #tpu.memory_space<hbm>>) target_semaphore(%arg8 : memref<!tpu.dma_semaphore, #tpu.memory_space<semaphore_mem>>)
    }
    %scan3A_61 = arith.constant 100 : i32
    %dma_wait3A = arith.constant 0 : i32
    %dma_wait3A_62 = arith.constant 0 : i32
    %dma_wait3A_63 = arith.constant 0 : i32
    %dma_wait3A_64 = tpu.memref_slice %arg6[%dma_wait3A, %dma_wait3A_62, %dma_wait3A_63] : memref<6x128x128xf32, #tpu.memory_space<vmem>> -> memref<1x128x128xf32, #tpu.memory_space<vmem>>
    %dma_wait3A_65 = tpu.memref_squeeze %dma_wait3A_64 : memref<1x128x128xf32, #tpu.memory_space<vmem>> -> memref<128x128xf32, #tpu.memory_space<vmem>>
    %dma_wait3A_66 = arith.constant 0 : i32
    %dma_wait3A_67 = tpu.memref_slice %arg4[%mul3A_2, %dma_wait3A_66] : memref<4096x12800xf32, #tpu.memory_space<hbm>> -> memref<128x128xf32, #tpu.memory_space<hbm>>
    %dma_wait3A_68 = arith.constant 0 : i32
    %dma_wait3A_69 = tpu.memref_slice %arg4[%mul3A_2, %dma_wait3A_68] : memref<4096x12800xf32, #tpu.memory_space<hbm>> -> memref<128x128xf32, #tpu.memory_space<hbm>>
    %dma_wait3A_70 = arith.constant 0 : i32
    %dma_wait3A_71 = arith.constant 0 : i32
    %dma_wait3A_72 = tpu.memref_slice %arg6[%dma_wait3A, %dma_wait3A_70, %dma_wait3A_71] : memref<6x128x128xf32, #tpu.memory_space<vmem>> -> memref<1x128x128xf32, #tpu.memory_space<vmem>>
    %dma_wait3A_73 = tpu.memref_squeeze %dma_wait3A_72 : memref<1x128x128xf32, #tpu.memory_space<vmem>> -> memref<128x128xf32, #tpu.memory_space<vmem>>
    tpu.wait_dma2 semaphore(%arg8 : memref<!tpu.dma_semaphore, #tpu.memory_space<semaphore_mem>>) src(%dma_wait3A_73 : memref<128x128xf32, #tpu.memory_space<vmem>>) dst(%dma_wait3A_69 : memref<128x128xf32, #tpu.memory_space<hbm>>)
    return
  }
}

module attributes {stable_mosaic.version = 14 : i64} {
  func.func @_mask_body(%arg0: memref<4096x200xi32, #tpu.memory_space<vmem>>, %arg1: memref<4096x200xi32, #tpu.memory_space<vmem>>) attributes {dimension_semantics = [], scalar_prefetch = 0 : i64, scratch_operands = 0 : i64, tpu.core_type = #tpu.core_type<tc>} {
    %get3A = arith.constant 0 : index
    %get3A_0 = arith.constant 0 : index
    %get3A_1 = vector.load %arg0[%get3A, %get3A_0] : memref<4096x200xi32, #tpu.memory_space<vmem>>, vector<4096x200xi32>
    %ne3A = arith.constant 0 : i32
    %ne3A_2 = vector.broadcast %ne3A : i32 to vector<4096x200xi32>
    %ne3A_3 = arith.cmpi ne, %get3A_1, %ne3A_2 : vector<4096x200xi32>
    %swap3A = arith.constant 0 : index
    %swap3A_4 = arith.constant 0 : index
    %swap3A_5 = vector.load %arg1[%swap3A, %swap3A_4] : memref<4096x200xi32, #tpu.memory_space<vmem>>, vector<4096x200xi32>
    %swap3A_6 = arith.extui %ne3A_3 : vector<4096x200xi1> to vector<4096x200xi32>
    %swap3A_7 = arith.constant dense<0> : vector<4096x200xi32>
    %swap3A_8 = arith.cmpi ne, %swap3A_5, %swap3A_7 : vector<4096x200xi32>
    tpu.vector_store %arg1[%swap3A, %swap3A_4], %swap3A_6 {strides = array<i32>} : memref<4096x200xi32, #tpu.memory_space<vmem>>, vector<4096x200xi32>,
    return
  }
}

</mosaic_0001>

<sc_bundles>
// kernel: kernel.4.cloned.1.call-start
scs
__scs_entry_jumppad:
0x0: {  	(pc) =	sbr.rel $0x88, $3  }
0x1: {  	(tag) =	ssettag $0x0;
	lr =	simm.s32 $0x1  }
0x2: {  	[smem:$0x3F9F] =	sst lr;
	_ =	strace $0xD0000000  }
0x3: {  	_ = 	snop  }
0x4: {  	_ = 	snop  }
0x5: {  	_ = 	snop  }
0x6: {  	_ = 	snop  }
0x7: {  	_ = 	snop  }
__scs_overlays_trampoline_lowered:
0x8: {  	[smem:$0x3FAE] =	sst s0  }
0x9: {  	[smem:$0x3FAF] =	sst s1  }
0xa: {  	[smem:$0x3FB0] =	sst s2  }
0xb: {  	[smem:$0x3FB1] =	sst s3  }
0xc: {  	[smem:$0x3FB2] =	sst s4  }
0xd: {  	[smem:$0x3FB3] =	sst s5  }
0xe: {  	[smem:$0x3FB4] =	sst s6  }
0xf: {  	[smem:$0x3FB5] =	sst s7  }
0x10: {  	[smem:$0x3FB6] =	sst s8  }
0x11: {  	[smem:$0x3FB7] =	sst s9;
	s0 =	simm.s32 @!p0 $0x0  }
0x12: {  	s1 =	sld [smem:$0x3F9D];
	s0 =	simm.s32 @p0 $0x1  }
0x13: {  	[smem:$0x3FB8] =	sst s0;
	s0 =	simm.s32 @!p1 $0x0  }
0x14: {  	s2 =	sld [smem:$0x3F9C];
	s0 =	simm.s32 @p1 $0x1  }
0x15: {  	[smem:$0x3FB9] =	sst s0;
	s0 =	simm.s32 @!p2 $0x0  }
0x16: {  	s3 =	sld [smem:$0x3FDB];
	s0 =	simm.s32 @p2 $0x1  }
0x17: {  	s4 =	simm.s32 $0x1BF5;
	[smem:$0x3FBB] =	sst s0  }
0x18: {  	s0 =	sld [smem:$0x3F9E];
	_ =	swait.ge [sflag:s4], $0x0  }
0x19: {  	s7 =	sld [smem:$0x3F9F]  }
0x1a: {  	s8 =	sadd.s32 $0xFFFFE003, lr  }
0x1b: {  	s9 =	sadd.s32 $0xFFFFFEF7, lr;
	s5 =	simm.s32 $0xFFFFFFFF;
	p2 =	slt.u32 s8, $0xFFFFF086  }
0x1c: {  	p1 =	slt.u32 s9, $0xF7A;
	s5 =	simm.s32 @!p2 $0x0  }
0x1d: {  	s5 =	simm.s32 @p1 $0x1;
	p0 =	seq.s32 s7, s2  }
0x1e: {  	s7 =	smul.u32 @!p0 $0xF7A, s2;
	p2 =	seq.s32 @!p0 s5, $0x0  }
0x1f: {  	s9 =	smul.u32 $0xF7A, s1;
	s8 =	simm.s32 @!p0 $0x1BF5;
	p2 =	por !p2, p0  }
0x20: {  	[sflag:s8] =	ssyncset.s32 @!p0 $0xFFFFF086;
	s6 =	sadd.s32 @!p0 s3, s7;
	s7 =	simm.s32 @!p0 $0x108  }
0x21: {  	s3 =	sadd.s32 s3, s9;
	s6 =	sadd.s32 @!p0 $0x88, s6;
	s7 =	simm.s32 @p2 $0x1082  }
0x22: {  	[simem:s7], [sflag:s8] =	dma.local @!p0 [hbm:s6], $0xF7A  }
0x23: {  	s9 =	sor.u32 $0xD0000000, s2;
	s6 =	simm.s32 $0x108;
	_ =	swait.ge @!p0 [sflag:s8], $0x0  }
0x24: {  	s3 =	sadd.s32 $0x88, s3;
	s6 =	simm.s32 @!p1 $0x1082;
	[sflag:s4] =	ssyncset.s32 $0xFFFFF086  }
0x25: {  	[simem:s6], [sflag:s4] =	dma.local [hbm:s3], $0xF7A  }
0x26: {  	[smem:$0x3F9F] =	sst s1;
	(tag) =	ssettag s2;
	_ =	strace s9  }
0x27: {  	s1 =	sld [smem:$0x3FAF]  }
0x28: {  	s2 =	sld [smem:$0x3FB0]  }
0x29: {  	s4 =	sld [smem:$0x3FB2]  }
0x2a: {  	p0 =	seq.s32 s5, $0x0;
	s5 =	sld [smem:$0x3FB3]  }
0x2b: {  	s6 =	sld [smem:$0x3FB4]  }
0x2c: {  	s7 =	sld [smem:$0x3FB5]  }
0x2d: {  	s3 =	simm.s32 $0x108;
	s8 =	sld [smem:$0x3FB6]  }
0x2e: {  	s3 =	simm.s32 @!p0 $0x1082;
	s9 =	sld [smem:$0x3FB7]  }
0x2f: {  	lr =	sadd.s32 s0, s3;
	s0 =	sld [smem:$0x3FAE]  }
0x30: {  	s3 =	sld [smem:$0x3FB1]  }
0x31: {  	[smem:$0x3FBA] =	sst s10  }
0x32: {  	s10 =	sld [smem:$0x3FB8];
	_ =	sdelay $0x3  }
0x33: {  	p0 =	seq.s32 s10, $0x1;
	s10 =	sld [smem:$0x3FBA];
	_ =	sdelay $0x3  }
0x34: {  	[smem:$0x3FBA] =	sst s10  }
0x35: {  	s10 =	sld [smem:$0x3FB9];
	_ =	sdelay $0x3  }
0x36: {  	p1 =	seq.s32 s10, $0x1;
	s10 =	sld [smem:$0x3FBA];
	_ =	sdelay $0x3  }
0x37: {  	[smem:$0x3FBA] =	sst s10  }
0x38: {  	s10 =	sld [smem:$0x3FBB]  }
0x39: {  	_ = 	snop;
	(pc) =	sbr.ind lr, $3  }
0x3a: {  	_ = 	snop  }
0x3b: {  	_ = 	snop  }
0x3c: {  	p2 =	seq.s32 s10, $0x1;
	s10 =	sld [smem:$0x3FBA]  }
0x3d: {  	_ =	shalt  }
0x3e: {  	_ =	shalt  }
0x3f: {  	_ =	shalt  }
0x40: {  	_ =	shalt  }
0x41: {  	_ =	shalt  }
0x42: {  	_ =	shalt  }
0x43: {  	_ =	shalt  }
0x44: {  	_ =	shalt  }
0x45: {  	_ =	shalt  }
0x46: {  	_ =	shalt  }
0x47: {  	_ =	shalt  }
0x48: {  	_ =	shalt  }
0x49: {  	_ =	shalt  }
0x4a: {  	_ =	shalt  }
0x4b: {  	_ =	shalt  }
0x4c: {  	_ =	shalt  }
0x4d: {  	_ =	shalt  }
0x4e: {  	_ =	shalt  }
0x4f: {  	_ =	shalt  }
0x50: {  	_ =	shalt  }
0x51: {  	_ =	shalt  }
0x52: {  	_ =	shalt  }
0x53: {  	_ =	shalt  }
0x54: {  	_ =	shalt  }
0x55: {  	_ =	shalt  }
0x56: {  	_ =	shalt  }
0x57: {  	_ =	shalt  }
0x58: {  	_ =	shalt  }
0x59: {  	_ =	shalt  }
0x5a: {  	_ =	shalt  }
0x5b: {  	_ =	shalt  }
0x5c: {  	_ =	shalt  }
0x5d: {  	_ =	shalt  }
0x5e: {  	_ =	shalt  }
0x5f: {  	_ =	shalt  }
0x60: {  	_ =	shalt  }
0x61: {  	_ =	shalt  }
0x62: {  	_ =	shalt  }
0x63: {  	_ =	shalt  }
0x64: {  	_ =	shalt  }
0x65: {  	_ =	shalt  }
0x66: {  	_ =	shalt  }
0x67: {  	_ =	shalt  }
0x68: {  	_ =	shalt  }
0x69: {  	_ =	shalt  }
0x6a: {  	_ =	shalt  }
0x6b: {  	_ =	shalt  }
0x6c: {  	_ =	shalt  }
0x6d: {  	_ =	shalt  }
0x6e: {  	_ =	shalt  }
0x6f: {  	_ =	shalt  }
0x70: {  	_ =	shalt  }
0x71: {  	_ =	shalt  }
0x72: {  	_ =	shalt  }
0x73: {  	_ =	shalt  }
0x74: {  	_ =	shalt  }
0x75: {  	_ =	shalt  }
0x76: {  	_ =	shalt  }
0x77: {  	_ =	shalt  }
0x78: {  	_ =	shalt  }
0x79: {  	_ =	shalt  }
0x7a: {  	_ =	shalt  }
0x7b: {  	_ =	shalt  }
0x7c: {  	_ =	shalt  }
0x7d: {  	_ =	shalt  }
0x7e: {  	_ =	shalt  }
0x7f: {  	_ =	shalt  }
0x80: {  	_ =	shalt  }
0x81: {  	_ =	shalt  }
0x82: {  	_ =	shalt  }
0x83: {  	_ =	shalt  }
0x84: {  	_ =	shalt  }
0x85: {  	_ =	shalt  }
0x86: {  	_ =	shalt  }
0x87: {  	_ =	shalt  }
.Lfunc_end0:
.L_simem_size_0:
called_computation_lowered:
.L_overlay_start_0:
0x88: {  	s2 =	sld [smem:$0x3FD9]  }
0x89: {  	s3 =	sld [smem:$0x3FFE];
	_ =	sdelay $0x1  }
0x8a: {  	s1 =	srdreg.scid  }
0x8b: {  	s0 =	sand.u32 $0x1, s1  }
0x8c: {  	s17 =	sshll.u32 s0, $0xA;
	s2 =	sadd.s32 s3, s2  }
0x8d: {  	s2 =	sadd.s32 s2, s17  }
0x8e: {  	[smem:$0x3FC6] =	sst s2  }
0x8f: {  	_ = 	snop  }
0x90: {  	s2 =	sld [smem:$0x3FC9];
	(tm) =	ssettm $0x1  }
0x91: {  	s18 =	sld [smem:$0x3FFB];
	_ =	sdelay $0x3  }
0x92: {  	_ =	strace s18  }
0x93: {  	s3 =	sld [smem:$0x3FFC];
	_ =	sdelay $0x3  }
0x94: {  	_ =	strace s3  }
0x95: {  	s3 =	sld [smem:$0x3FFD];
	_ =	sdelay $0x3  }
0x96: {  	_ =	strace s3  }
0x97: {  	_ =	strace $0x8FFFFFFF  }
0x98: {  	s19 =	sld [smem:$0x3FDB];
	_ =	sdelay $0x1  }
0x99: {  	s4 =	simm.s32 $_scs_section_size  }
0x9a: {  	s5 =	simm.s32 $_size__tile_overlayer_lowered;
	s6 =	simm.s32 $_tile_overlayer_lowered  }
0x9b: {  	s22 =	simm.s32 $0x1BFF;
	s21 =	sshll.u32 s6, $0x1;
	s3 =	sadd.s32 s4, s19  }
0x9c: {  	s7 =	simm.s32 $0x0;
	s20 =	sshll.u32 s5, $0x1;
	s5 =	sadd.s32 s21, s3  }
0x9d: {  	[timem:s7], [sflag:s22] =	dma.local [hbm:s5], s20  }
0x9e: {  	_ =	swait.ge [sflag:s22], s20  }
0x9f: {  	s4 =	ssub.s32 $0x0, s20;
	[sflag:s22] =	ssyncset.done $0x0  }
0xa0: {  	[sflag:s22] =	ssyncadd.s32 s4;
	_ =	sdelay $0x1  }
0xa1: {  	s23 =	simm.s32 $0x1B8B  }
0xa2: {  	_ =	swait.ge [sflag:s23], $0x1  }
0xa3: {  	[sflag:s23] =	ssyncset.done $0x0  }
0xa4: {  	s25 =	simm.s32 $0x1B8E;
	s24 =	sld [smem:$0x3FFE];
	[sflag:s23] =	ssyncadd.s32 $0xFFFFFFFF  }
0xa5: {  	s26 =	simm.s32 $execute0_lowered;
	[smem:$0x3FD2] =	sst s25  }
0xa6: {  	s5 =	sshll.u32 s26, $0x1;
	_ =	strace $0x80000046;
	[dreg:$0x1] =	wrdreg $0xFFFFFFFF  }
0xa7: {  	s28 =	simm.s32 $_size_execute0_lowered;
	s3 =	sadd.s32 s3, s5;
	[dreg:$0x0] =	wrdreg $0x0  }
0xa8: {  	s5 =	sshll.u32 s28, $0x1;
	[dreg:$0x2] =	wrdreg s3  }
0xa9: {  	[dreg:$0x3] =	wrdreg s5  }
0xaa: {  	[dreg:$0x4] =	wrdreg $0xC0  }
0xab: {  	_ =	task [dreg:s7], $0x5FFFF  }
0xac: {  	[dreg:$0x1] =	wrdreg $0xFFFFFFFF  }
0xad: {  	[dreg:$0x0] =	wrdreg $0x60  }
0xae: {  	[dreg:$0x2] =	wrdreg s2  }
0xaf: {  	[dreg:$0x3] =	wrdreg s24  }
0xb0: {  	[dreg:$0x4] =	wrdreg $0x9  }
0xb1: {  	_ =	task.clear_ibuf [dreg:s7], $0x5FFFF;
	_ =	strace $0x90000046  }
0xb2: {  	s29 =	simm.s32 $0x9;
	_ =	strace $0x80000048  }
0xb3: {  	_ =	swait.ge [sflag:s29], $0x1  }
0xb4: {  	[sflag:s29] =	ssyncadd.s32 $0xFFFFFFFF  }
0xb5: {  	_ =	strace $0x90000048  }
0xb6: {  	_ =	sfence  }
0xb7: {  	s30 =	sld [smem:$0x0];
	_ =	sdelay $0x2  }
0xb8: {  	s31 =	sshll.u32 s1, $0xD;
	s1 =	sshrl.u32 s1, $0x2  }
0xb9: {  	s3 =	sand.u32 $0x4000, s31;
	s1 =	sadd.s32 s1, s30  }
0xba: {  	s0 =	sor.u32 s3, s0;
	s1 =	sshll.u32 s1, $0x11  }
0xbb: {  	s0 =	sor.u32 s1, s0  }
0xbc: {  	s0 =	sadd.s32 $0x8F2B, s0  }
0xbd: {  	[sflag:s0] =	ssyncadd.remote.s32 $0x1  }
0xbe: {  	_ =	sfence.sel $0xFFFF  }
0xbf: {  	[dreg:$0x0] =	wrdreg $0xFFFFFFFF;
	(pc) =	sbr.abs _section_cstart, $3  }
0xc0: {  	[dreg:$0x1] =	wrdreg $0xFFFFFFFF  }
0xc1: {  	_ =	task.clear_ibuf [dreg:s7], $0x2FFFF;
	_ =	strace $0x9FFFFFFF  }
0xc2: {  	(tm) =	ssettm $0x7FFFFFFF  }
0xc3: {  	_ =	shalt  }
tec
execute0_lowered:
.L_overlay_start_1:
0x0: {  	(tag) =	ssettag $0x1  }
0x1: {  	s5 =	rddreg [dreg:$0x0]  }
0x2: {  	s4 =	rddreg [dreg:$0x1]  }
0x3: {  	s0 =	rddreg [dreg:$0x2];
	s2 =	simm.s32 $0x0;
	s3 =	srdreg.scid  }
0x4: {  	s1 =	stileid.u32;
	s10 =	simm.s32 $0x3;
	s11 =	simm.s32 $0x80  }
0x5: {  	s12 =	simm.s32 $0x6400;
	s13 =	simm.s32 $0xA400;
	s14 =	simm.s32 $0x100  }
0x6: {  	s15 =	simm.s32 $0xE400;
	s16 =	simm.s32 $0x180;
	s17 =	simm.s32 $0x12400  }
0x7: {  	s18 =	simm.s32 $0x1;
	s19 =	simm.s32 $0x19000;
	s20 =	simm.s32 $0x2  }
0x8: {  	s21 =	simm.s32 $0x0;
	[smem:$0x7FF] =	sst s2;
	s6 =	sand.u32 $0x1, s3  }
0x9: {  	s7 =	sshll.u32 s1, $0x8;
	s3 =	sadd.s32 $0xF42A00, s4;
	s8 =	sshll.u32 s6, $0x7  }
0xa: {  	s4 =	sadd.s32 $0x600, s4;
	s6 =	ssub.s32 $0x2, s6;
	s7 =	sor.u32 s8, s7  }
0xb: {  	_ =	strace $0x80000047;
	s31 =	sshrl.u32 s6, $0x1;
	s9 =	sshrl.u32 s7, $0x3  }
0xc: {  	s8 =	ssub.s32 s6, s31;
	s5 =	sadd.s32 s5, s7;
	s6 =	smul.u32 $0x19000, s9  }
0xd: {  	s7 =	smax.u32 s8, $0x1;
	s8 =	simm.s32 $0x400;
	s9 =	simm.s32 $0x8000  }
.LBB2_1:
0xe: {  	[tilespmem:s2], [sflag:$0x3] =	stream.strided.gather [hbm4b:s5+s8], $0x6400, s9, s8, $0x38;
	[tilespmem:$0x1E400] =	vst v63  }
0xf: {  	_ =	swait.ge [sflag:s10], $0x6400  }
0x10: {  	[sflag:s10] =	ssyncset.done $0x0  }
0x11: {  	[sflag:s10] =	ssyncadd.s32 $0xFFFF9C00  }
0x12: {  	[tilespmem:s12], [sflag:$0x1] =	stream.indirect.gather [hbm4b:s3+s11], $0x80, s2, s11, $0xb8;
	[tilespmem:$0x1E400] =	vst v63  }
0x13: {  	_ = 	snop  }
0x14: {  	[tilespmem:s13], [sflag:$0x1] =	stream.indirect.gather [hbm4b:s3+s11], $0x80, s11, s11, $0xb8;
	[tilespmem:$0x1E400] =	vst v63  }
0x15: {  	_ = 	snop  }
0x16: {  	[tilespmem:s15], [sflag:$0x1] =	stream.indirect.gather [hbm4b:s3+s11], $0x80, s14, s11, $0xb8;
	[tilespmem:$0x1E400] =	vst v63  }
0x17: {  	s22 =	simm.s32 $0x6440;
	s23 =	simm.s32 $0x0;
	s24 =	simm.s32 $0x0  }
0x18: {  	[tilespmem:s17], [sflag:$0x1] =	stream.indirect.gather [hbm4b:s3+s11], $0x80, s16, s11, $0xb8;
	[tilespmem:$0x1E400] =	vst v63  }
.LBB2_2:
0x19: {  	_ =	swait.ge [sflag:s18], $0x4000  }
0x1a: {  	[sflag:s18] =	ssyncset.done $0x0  }
0x1b: {  	[sflag:s18] =	ssyncadd.s32 $0xFFFFC000  }
0x1c: {  	_ =	swait.ge [sflag:s18], $0x4000  }
0x1d: {  	p0 =	seq.s32 s24, $0x0;
	[sflag:s18] =	ssyncset.done $0x0  }
0x1e: {  	s26 =	simm.s32 @!p0 $0x2;
	[sflag:s18] =	ssyncadd.s32 $0xFFFFC000  }
0x1f: {  	p1 =	sgt.u32 @!p0 s24, $0x61;
	_ =	swait.ge @!p0 [sflag:s26], $0x4000  }
0x20: {  	s25 =	sshll.u32 s24, $0x1;
	p1 =	por p0, !p1;
	[sflag:s26] =	ssyncset.done @!p0 $0x0  }
0x21: {  	[sflag:s26] =	ssyncadd.s32 @!p0 $0xFFFFC000;
	s26 =	sadd.s32 @p1 $0x4, s25  }
0x22: {  	s28 =	sand.u32 @p1 $0xFF, s26  }
0x23: {  	s28 =	smul.u32 @p1 $0xAB, s28;
	_ =	sdelay $0x1  }
0x24: {  	s28 =	sshrl.u32 @p1 s28, $0xA  }
0x25: {  	s29 =	sadd.s32 @p1 $0x5, s25;
	s28 =	smul.u32 @p1 $0x6, s28  }
0x26: {  	s30 =	sand.u32 @p1 $0xFF, s29  }
0x27: {  	s30 =	smul.u32 @p1 $0xAB, s30;
	s28 =	ssub.s32 @p1 s26, s28  }
0x28: {  	s28 =	sand.u32 @p1 $0xFF, s28  }
0x29: {  	s30 =	sshrl.u32 @p1 s30, $0xA;
	s26 =	sshll.u32 @p1 s26, $0x7;
	s28 =	sshll.u32 @p1 s28, $0xE  }
0x2a: {  	s30 =	smul.u32 @p1 $0x6, s30;
	s26 =	sand.u32 @p1 $0x3FFFFF80, s26;
	s28 =	sadd.s32 @p1 $0x6400, s28  }
0x2b: {  	[tilespmem:s28], [sflag:$0x1] =	stream.indirect.gather @p1 [hbm4b:s3+s11], $0x80, s26, s11, $0xb8;
	[tilespmem:$0x1E400] =	vst v63  }
0x2c: {  	s26 =	ssub.s32 @p1 s29, s30  }
0x2d: {  	s26 =	sand.u32 @p1 $0xFF, s26  }
0x2e: {  	s31 =	smulhi.u32 $0xAAAAAAAB, s23;
	s28 =	sshll.u32 @p1 s29, $0x7;
	s26 =	sshll.u32 @p1 s26, $0xE  }
0x2f: {  	s28 =	sand.u32 @p1 $0x3FFFFF80, s28;
	s26 =	sadd.s32 @p1 $0x6400, s26  }
0x30: {  	[tilespmem:s26], [sflag:$0x1] =	stream.indirect.gather @p1 [hbm4b:s3+s11], $0x80, s28, s11, $0xb8;
	[tilespmem:$0x1E400] =	vst v63  }
0x31: {  	s26 =	sshrl.u32 s31, $0x2  }
0x32: {  	s26 =	smul.u32 $0xFFFA0000, s26;
	_ =	sdelay $0x1  }
0x33: {  	s26 =	sshra.s32 s26, $0x2  }
0x34: {  	s26 =	sadd.s32 s26, s22  }
0x35: {  	v0 =	vmov s26;
	_ =	sdelay $0x3  }
0x36: {  	s26 =	simm.s32 $0x0  }
0x37: {  	v1 =	vld.idx.msk [tilespmem:v0+s26+$0x3FC0 ss:$0x1], $0xffff  }
0x38: {  	v2 =	vld.idx.msk [tilespmem:v0+s26+$0x3FD0 ss:$0x1], $0xffff;
	_ =	sdelay $0x2  }
0x39: {  	s28 =	smul.u32 $0x156, s24  }
0x3a: {  	[tilespmem:v0+s26+$0x0 ss:$0x1] =	vst.idx.msk $0xffff, v1  }
0x3b: {  	s28 =	sshrl.u32 s28, $0xA;
	[tilespmem:v0+s26+$0x10 ss:$0x1] =	vst.idx.msk $0xffff, v2  }
0x3c: {  	s28 =	sand.u32 $0x3F, s28;
	v1 =	vld.idx.msk [tilespmem:v0+s26+$0x3FE0 ss:$0x1], $0xffff  }
0x3d: {  	s28 =	smul.u32 $0x6, s28;
	_ =	sdelay $0x1  }
0x3e: {  	s25 =	ssub.s32 s25, s28  }
0x3f: {  	s25 =	sand.u32 $0xFE, s25  }
0x40: {  	s25 =	sshll.u32 s25, $0xE;
	[tilespmem:v0+s26+$0x20 ss:$0x1] =	vst.idx.msk $0xffff, v1  }
0x41: {  	s29 =	simm.s32 $0x400;
	s28 =	simm.s32 $0x200;
	s25 =	sadd.s32 $0x6400, s25;
	v1 =	vld.idx.msk [tilespmem:v0+s26+$0x3FF0 ss:$0x1], $0xffff  }
.LBB2_3:
0x42: {  	_ =	sdelay $0x2  }
0x43: {  	p0 =	sne.s32 s29, $0xFE00  }
0x44: {  	[tilespmem:v0+s26+$0x30 ss:$0x1] =	vst.idx.msk $0xffff, v1;
	s26 =	sshra.s32 s28, $0x2;
	s28 =	smov.u32 s29;
	s29 =	sadd.s32 $0x200, s29  }
0x45: {  	v1 =	vld.idx.msk [tilespmem:v0+s26+$0x3FC0 ss:$0x1], $0xffff  }
0x46: {  	v2 =	vld.idx.msk [tilespmem:v0+s26+$0x3FD0 ss:$0x1], $0xffff;
	_ =	sdelay $0x4  }
0x47: {  	[tilespmem:v0+s26+$0x0 ss:$0x1] =	vst.idx.msk $0xffff, v1  }
0x48: {  	[tilespmem:v0+s26+$0x10 ss:$0x1] =	vst.idx.msk $0xffff, v2  }
0x49: {  	v1 =	vld.idx.msk [tilespmem:v0+s26+$0x3FE0 ss:$0x1], $0xffff;
	_ =	sdelay $0x2  }
.Ltmp0:
0x4a: {  	(pc) =	sbr.rel @p0 .LBB2_3-.Ltmp0, $3  }
0x4b: {  	_ =	sdelay $0x1  }
0x4c: {  	[tilespmem:v0+s26+$0x20 ss:$0x1] =	vst.idx.msk $0xffff, v1  }
0x4d: {  	v1 =	vld.idx.msk [tilespmem:v0+s26+$0x3FF0 ss:$0x1], $0xffff  }
0x4e: {  	_ =	sdelay $0x3  }
0x4f: {  	s28 =	sshra.s32 s28, $0x2;
	[tilespmem:v0+s26+$0x30 ss:$0x1] =	vst.idx.msk $0xffff, v1  }
0x50: {  	v1 =	vld.idx.msk [tilespmem:v0+s28+$0x3FC0 ss:$0x1], $0xffff  }
0x51: {  	v2 =	vld.idx.msk [tilespmem:v0+s28+$0x3FD0 ss:$0x1], $0xffff;
	_ =	sdelay $0x3  }
0x52: {  	[tilespmem:v0+s28+$0x0 ss:$0x1] =	vst.idx.msk $0xffff, v1  }
0x53: {  	[tilespmem:v0+s28+$0x10 ss:$0x1] =	vst.idx.msk $0xffff, v2  }
0x54: {  	v1 =	vld.idx.msk [tilespmem:v0+s28+$0x3FE0 ss:$0x1], $0xffff;
	_ =	sdelay $0x4  }
0x55: {  	[tilespmem:v0+s28+$0x20 ss:$0x1] =	vst.idx.msk $0xffff, v1  }
0x56: {  	s31 =	sshll.u32 s24, $0xA;
	s24 =	sadd.s32 $0x1, s24;
	v1 =	vld.idx.msk [tilespmem:v0+s28+$0x3FF0 ss:$0x1], $0xffff  }
0x57: {  	p0 =	sne.s32 s24, $0x64  }
.Ltmp1:
0x58: {  	_ = 	snop;
	(pc) =	sbr.rel @p0 .LBB2_2-.Ltmp1, $4  }
0x59: {  	s26 =	sadd.s32 s6, s31  }
0x5a: {  	s26 =	sshrl.u32 s26, $0x3  }
0x5b: {  	s22 =	sadd.s32 $0x8000, s22;
	s23 =	sadd.s32 $0x2, s23;
	s26 =	sadd.s32 s4, s26;
	[tilespmem:v0+s28+$0x30 ss:$0x1] =	vst.idx.msk $0xffff, v1  }
0x5c: {  	[hbm4b:s26+s8] =	stream.strided.scatter [tilespmem:s25], [sflag:$0x2], $0x4000, s19, s8, $0x38;
	[tilespmem:$0x1E400] =	vst v63  }
0x5d: {  	s21 =	sadd.s32 $0x1, s21  }
0x5e: {  	p0 =	sne.s32 s21, s7  }
.Ltmp2:
0x5f: {  	_ = 	snop;
	(pc) =	sbr.rel @p0 .LBB2_1-.Ltmp2, $4  }
0x60: {  	_ = 	snop  }
0x61: {  	_ =	swait.ge [sflag:s20], $0x4000  }
0x62: {  	[sflag:s20] =	ssyncset.done $0x0  }
0x63: {  	[sflag:s20] =	ssyncadd.s32 $0xFFFFC000  }
0x64: {  	_ =	sfence.sel $0x180000  }
0x65: {  	[bflag:$0x0] =	sbarrier.arrive $0xFFFF  }
0x66: {  	p0 =	sne.s32 s1, $0x0;
	_ =	strace $0x90000047  }
0x67: {  	s0 =	sadd.s32 @!p0 $0x100000, s0;
	[bflag:$0x2] =	sbarrier.arrive $0xFFFF  }
0x68: {  	[sflag:s0] =	ssyncadd.tile.s32 @!p0 $0x1;
	_ =	shalt  }
.Lfunc_end2:
_tile_overlayer_lowered:
.L_overlay_start_2:
0x69: {  	(tag) =	ssettag $0x2  }
0x6a: {  	s0 =	rddreg [dreg:$0x0];
	s2 =	stileid.u32  }
0x6b: {  	s1 =	rddreg [dreg:$0x1];
	p0 =	sne.s32 s2, $0x0  }
0x6c: {  	s3 =	rddreg [dreg:$0x2];
	[bflag:$0x3] =	sbarrier.arrive $0xFFFF;
	s2 =	simm.s32 @!p0 $0x1C03  }
0x6d: {  	[timem:s3], [sflag:s2] =	dma.local @!p0 [hbm:s0], s1  }
0x6e: {  	s0 =	simm.s32 @!p0 $0x3  }
0x6f: {  	_ =	swait.ge @!p0 [sflag:s0], s1  }
0x70: {  	s1 =	ssub.s32 @!p0 $0x0, s1;
	[sflag:s0] =	ssyncset.done @!p0 $0x0  }
0x71: {  	[sflag:s0] =	ssyncadd.s32 @!p0 s1  }
0x72: {  	[bflag:$0x3] =	sbarrier.arrive $0xFFFF  }
0x73: {  	_ =	shalt  }

</sc_bundles>
